<compile_context>
chip_gen: v7x
topology: tpu7x:2x2x1
jax: 0.10.2.dev20260603
libtpu: 0.0.44.dev20260713+nightly
codegen_flags: <defaults>
</compile_context>

<pallas_src>
import functools

import jax
import jax.numpy as jnp
from jax import lax
from jax.experimental import pallas as pl
from jax.experimental.pallas import tpu as pltpu
from jax.experimental.pallas import tpu_sc as plsc

_CHUNK = 128
_NBUF = 4


def _lookup(idx, table):
    (n_rows,) = idx.shape
    v, d = table.shape
    chunk = _CHUNK
    info = plsc.get_sparse_core_info()
    nw = info.num_cores * info.num_subcores
    b_per_w = n_rows // nw
    n_chunks = b_per_w // chunk
    nbuf = min(_NBUF, n_chunks)

    mesh = plsc.VectorSubcoreMesh(core_axis_name="c", subcore_axis_name="s")

    @functools.partial(
        pl.kernel,
        mesh=mesh,
        out_type=jax.ShapeDtypeStruct((n_rows, d), jnp.float32),
        scratch_types=(
            [pltpu.VMEM_SHARED((v, d), jnp.float32)]
            + [pltpu.VMEM((b_per_w,), jnp.int32)]
            + [pltpu.VMEM((nbuf * chunk, d), jnp.float32)]
            + [pltpu.SemaphoreType.DMA((nbuf,))]
            + [pltpu.SemaphoreType.DMA((nbuf,))]
        ),
    )
    def k(table_hbm, idx_hbm, out_hbm, table_sh, idx_v, buf, gsems, ssems):
        sid = lax.axis_index("s")
        wid = sid * info.num_cores + lax.axis_index("c")
        @pl.when(sid == 0)
        def _():
            pltpu.sync_copy(table_hbm, table_sh)

        pltpu.sync_copy(idx_hbm.at[pl.ds(wid * b_per_w, b_per_w)], idx_v)
        plsc.subcore_barrier()

        out_base = wid * b_per_w

        def start_gather(c, slot, b):
            pltpu.async_copy(
                table_sh.at[idx_v.at[pl.ds(c * chunk, chunk)]],
                buf.at[pl.ds(slot, chunk)],
                gsems.at[b],
            )

        for b in range(nbuf):
            start_gather(b, b * chunk, b)

        def chunk_body(c, _):
            b = lax.rem(c, nbuf)
            slot = b * chunk
            bufslot = buf.at[pl.ds(slot, chunk)]
            pltpu.make_async_copy(
                out_hbm.at[pl.ds(out_base, chunk)], bufslot, gsems.at[b]
            ).wait()
            pltpu.async_copy(
                bufslot,
                out_hbm.at[pl.ds(out_base + c * chunk, chunk)],
                ssems.at[b],
            )

            @pl.when(c < n_chunks - nbuf)
            def _():
                pltpu.make_async_copy(
                    bufslot, out_hbm.at[pl.ds(out_base, chunk)], ssems.at[b]
                ).wait()
                start_gather(c + nbuf, slot, b)

            return 0

        lax.fori_loop(0, n_chunks, chunk_body, 0)
        for b in range(nbuf):
            pltpu.make_async_copy(
                buf.at[pl.ds(b * chunk, chunk)],
                out_hbm.at[pl.ds(out_base, chunk)],
                ssems.at[b],
            ).wait()

    return k(table, idx)


def kernel(input, table):
    d = table.shape[-1]
    idx = input.reshape(-1).astype(jnp.int32)
    out = _lookup(idx, table.astype(jnp.float32))
    return out.reshape(input.shape + (d,))

# --- scband reference (transcript-rebuilt; emitter-appended) ---
"""Pipeline reference for scband-token-typel-embeddings-10977936409092 (READ-ONLY COPY).

The authoritative reference and input builder live on the scoring server;
editing this copy changes nothing except your own understanding.
"""

import jax, jax.numpy as jnp
import numpy as np


def setup_inputs(seed: int = 0) -> dict:
    key = jax.random.key(seed)
    k1, k2 = jax.random.split(key)
    input = jax.random.randint(k1, (4, 8192), 0, 16, dtype=jnp.int64) if jax.config.jax_enable_x64 else jax.random.randint(k1, (4, 8192), 0, 16, dtype=jnp.int32)
    table = jax.random.normal(k2, (16, 128), dtype=jnp.float32)
    # padding_idx=0 row is initialized to zeros in torch nn.Embedding
    table = table.at[0].set(0.0)
    return {"input": input, "table": table}


def reference(input, table):
    # nn.Embedding forward: gather rows of the table by index
    return jnp.take(table, input, axis=0)

if __name__ == "__main__":
    import jax
    _d = setup_inputs()
    print(jax.jit(kernel)(*tuple(_d.values())))

</pallas_src>

<mosaic_0001>
#map = affine_map<(d0, d1) -> (0, 0)>
#map1 = affine_map<(d0, d1) -> (0)>
module attributes {stable_mosaic.version = 14 : i64} {
  func.func @k(%arg0: i32, %arg1: i32, %arg2: memref<16x128xf32, #tpu.memory_space<hbm>>, %arg3: memref<32768xi32, #tpu.memory_space<hbm>>, %arg4: memref<32768x128xf32, #tpu.memory_space<hbm>>, %arg5: memref<16x128xf32, #tpu.memory_space<vmem_shared>>, %arg6: memref<1024xi32, #tpu.memory_space<vmem>>, %arg7: memref<512x128xf32, #tpu.memory_space<vmem>>, %arg8: memref<4x!tpu.dma_semaphore, #tpu.memory_space<semaphore_mem>>, %arg9: memref<4x!tpu.dma_semaphore, #tpu.memory_space<semaphore_mem>>) attributes {dimension_semantics = [#tpu.dimension_semantics<core_parallel>, #tpu.dimension_semantics<subcore_parallel>], iteration_bounds = array<i64: 2, 16>, scalar_prefetch = 0 : i64, scratch_operands = 5 : i64, tpu.core_type = #tpu.core_type<sc_vector_subcore>, window_params = [{transform_indices = #map}, {transform_indices = #map1}, {transform_indices = #map}]} {
    %mul3A = arith.constant 2 : i32
    %mul3A_0 = arith.muli %arg1, %mul3A : i32
    %add3A = arith.addi %mul3A_0, %arg0 : i32
    %eq3A = arith.constant 0 : i32
    %eq3A_1 = arith.cmpi eq, %arg1, %eq3A : i32
    %convert_element_type3A = arith.extui %eq3A_1 : i1 to i32
    %cond3A = arith.constant 0 : i32
    %cond3A_2 = arith.cmpi ne, %convert_element_type3A, %cond3A : i32
    scf.if %cond3A_2 {
      "tpu.region"() ({
        %run_scoped3A = tpu.sem_alloc : memref<!tpu.dma_semaphore, #tpu.memory_space<semaphore_mem>>
        tpu.enqueue_dma source(%arg2 : memref<16x128xf32, #tpu.memory_space<hbm>>) target(%arg5 : memref<16x128xf32, #tpu.memory_space<vmem_shared>>) target_semaphore(%run_scoped3A : memref<!tpu.dma_semaphore, #tpu.memory_space<semaphore_mem>>)
        tpu.wait_dma2 semaphore(%run_scoped3A : memref<!tpu.dma_semaphore, #tpu.memory_space<semaphore_mem>>) src(%arg2 : memref<16x128xf32, #tpu.memory_space<hbm>>) dst(%arg5 : memref<16x128xf32, #tpu.memory_space<vmem_shared>>)
        tpu.yield
      }) : () -> ()
    } else {
    }
    %mul3A_3 = arith.constant 1024 : i32
    %mul3A_4 = arith.muli %add3A, %mul3A_3 : i32
    "tpu.region"() ({
      %run_scoped3A = tpu.sem_alloc : memref<!tpu.dma_semaphore, #tpu.memory_space<semaphore_mem>>
      %dma_start3A_107 = tpu.memref_slice %arg3[%mul3A_4] : memref<32768xi32, #tpu.memory_space<hbm>> -> memref<1024xi32, #tpu.memory_space<hbm>>
      %dma_start3A_108 = tpu.memref_slice %arg3[%mul3A_4] : memref<32768xi32, #tpu.memory_space<hbm>> -> memref<1024xi32, #tpu.memory_space<hbm>>
      tpu.enqueue_dma source(%dma_start3A_108 : memref<1024xi32, #tpu.memory_space<hbm>>) target(%arg6 : memref<1024xi32, #tpu.memory_space<vmem>>) target_semaphore(%run_scoped3A : memref<!tpu.dma_semaphore, #tpu.memory_space<semaphore_mem>>)
      %dma_wait3A_109 = tpu.memref_slice %arg3[%mul3A_4] : memref<32768xi32, #tpu.memory_space<hbm>> -> memref<1024xi32, #tpu.memory_space<hbm>>
      %dma_wait3A_110 = tpu.memref_slice %arg3[%mul3A_4] : memref<32768xi32, #tpu.memory_space<hbm>> -> memref<1024xi32, #tpu.memory_space<hbm>>
      tpu.wait_dma2 semaphore(%run_scoped3A : memref<!tpu.dma_semaphore, #tpu.memory_space<semaphore_mem>>) src(%dma_wait3A_110 : memref<1024xi32, #tpu.memory_space<hbm>>) dst(%arg6 : memref<1024xi32, #tpu.memory_space<vmem>>)
      tpu.yield
    }) : () -> ()
    %barrier3A = arith.constant 0 : index
    tpu.barrier barrier_id(%barrier3A)
    %mul3A_5 = arith.constant 1024 : i32
    %mul3A_6 = arith.muli %add3A, %mul3A_5 : i32
    %dma_start3A = arith.constant 0 : i32
    %dma_start3A_7 = arith.constant 0 : i32
    %dma_start3A_8 = arith.constant 0 : i32
    %dma_start3A_9 = tpu.memref_slice %arg7[%dma_start3A_7, %dma_start3A_8] : memref<512x128xf32, #tpu.memory_space<vmem>> -> memref<128x128xf32, #tpu.memory_space<vmem>>
    %dma_start3A_10 = arith.constant 0 : i32
    %dma_start3A_11 = tpu.memref_slice %arg6[%dma_start3A_10] : memref<1024xi32, #tpu.memory_space<vmem>> -> memref<128xi32, #tpu.memory_space<vmem>>
    %dma_start3A_12 = arith.constant 0 : i32
    %dma_start3A_13 = arith.constant 0 : i32
    %dma_start3A_14 = tpu.memref_slice %arg5[%dma_start3A_12, %dma_start3A_13] : memref<16x128xf32, #tpu.memory_space<vmem_shared>> -> memref<16x128xf32, #tpu.memory_space<vmem_shared>>
    %dma_start3A_15 = tpu.memref_slice %arg8[%dma_start3A] : memref<4x!tpu.dma_semaphore, #tpu.memory_space<semaphore_mem>> -> memref<1x!tpu.dma_semaphore, #tpu.memory_space<semaphore_mem>>
    %dma_start3A_16 = tpu.memref_squeeze %dma_start3A_15 : memref<1x!tpu.dma_semaphore, #tpu.memory_space<semaphore_mem>> -> memref<!tpu.dma_semaphore, #tpu.memory_space<semaphore_mem>>
    tpu.enqueue_indirect_dma source(%dma_start3A_14 : memref<16x128xf32, #tpu.memory_space<vmem_shared>>) target(%dma_start3A_9 : memref<128x128xf32, #tpu.memory_space<vmem>>) offsets(%dma_start3A_11 : memref<128xi32, #tpu.memory_space<vmem>>) semaphore(%dma_start3A_16 : memref<!tpu.dma_semaphore, #tpu.memory_space<semaphore_mem>>)
    %dma_start3A_17 = arith.constant 1 : i32
    %dma_start3A_18 = arith.constant 128 : i32
    %dma_start3A_19 = arith.constant 0 : i32
    %dma_start3A_20 = tpu.memref_slice %arg7[%dma_start3A_18, %dma_start3A_19] : memref<512x128xf32, #tpu.memory_space<vmem>> -> memref<128x128xf32, #tpu.memory_space<vmem>>
    %dma_start3A_21 = arith.constant 128 : i32
    %dma_start3A_22 = tpu.memref_slice %arg6[%dma_start3A_21] : memref<1024xi32, #tpu.memory_space<vmem>> -> memref<128xi32, #tpu.memory_space<vmem>>
    %dma_start3A_23 = arith.constant 0 : i32
    %dma_start3A_24 = arith.constant 0 : i32
    %dma_start3A_25 = tpu.memref_slice %arg5[%dma_start3A_23, %dma_start3A_24] : memref<16x128xf32, #tpu.memory_space<vmem_shared>> -> memref<16x128xf32, #tpu.memory_space<vmem_shared>>
    %dma_start3A_26 = tpu.memref_slice %arg8[%dma_start3A_17] : memref<4x!tpu.dma_semaphore, #tpu.memory_space<semaphore_mem>> -> memref<1x!tpu.dma_semaphore, #tpu.memory_space<semaphore_mem>>
    %dma_start3A_27 = tpu.memref_squeeze %dma_start3A_26 : memref<1x!tpu.dma_semaphore, #tpu.memory_space<semaphore_mem>> -> memref<!tpu.dma_semaphore, #tpu.memory_space<semaphore_mem>>
    tpu.enqueue_indirect_dma source(%dma_start3A_25 : memref<16x128xf32, #tpu.memory_space<vmem_shared>>) target(%dma_start3A_20 : memref<128x128xf32, #tpu.memory_space<vmem>>) offsets(%dma_start3A_22 : memref<128xi32, #tpu.memory_space<vmem>>) semaphore(%dma_start3A_27 : memref<!tpu.dma_semaphore, #tpu.memory_space<semaphore_mem>>)
    %dma_start3A_28 = arith.constant 2 : i32
    %dma_start3A_29 = arith.constant 256 : i32
    %dma_start3A_30 = arith.constant 0 : i32
    %dma_start3A_31 = tpu.memref_slice %arg7[%dma_start3A_29, %dma_start3A_30] : memref<512x128xf32, #tpu.memory_space<vmem>> -> memref<128x128xf32, #tpu.memory_space<vmem>>
    %dma_start3A_32 = arith.constant 256 : i32
    %dma_start3A_33 = tpu.memref_slice %arg6[%dma_start3A_32] : memref<1024xi32, #tpu.memory_space<vmem>> -> memref<128xi32, #tpu.memory_space<vmem>>
    %dma_start3A_34 = arith.constant 0 : i32
    %dma_start3A_35 = arith.constant 0 : i32
    %dma_start3A_36 = tpu.memref_slice %arg5[%dma_start3A_34, %dma_start3A_35] : memref<16x128xf32, #tpu.memory_space<vmem_shared>> -> memref<16x128xf32, #tpu.memory_space<vmem_shared>>
    %dma_start3A_37 = tpu.memref_slice %arg8[%dma_start3A_28] : memref<4x!tpu.dma_semaphore, #tpu.memory_space<semaphore_mem>> -> memref<1x!tpu.dma_semaphore, #tpu.memory_space<semaphore_mem>>
    %dma_start3A_38 = tpu.memref_squeeze %dma_start3A_37 : memref<1x!tpu.dma_semaphore, #tpu.memory_space<semaphore_mem>> -> memref<!tpu.dma_semaphore, #tpu.memory_space<semaphore_mem>>
    tpu.enqueue_indirect_dma source(%dma_start3A_36 : memref<16x128xf32, #tpu.memory_space<vmem_shared>>) target(%dma_start3A_31 : memref<128x128xf32, #tpu.memory_space<vmem>>) offsets(%dma_start3A_33 : memref<128xi32, #tpu.memory_space<vmem>>) semaphore(%dma_start3A_38 : memref<!tpu.dma_semaphore, #tpu.memory_space<semaphore_mem>>)
    %dma_start3A_39 = arith.constant 3 : i32
    %dma_start3A_40 = arith.constant 384 : i32
    %dma_start3A_41 = arith.constant 0 : i32
    %dma_start3A_42 = tpu.memref_slice %arg7[%dma_start3A_40, %dma_start3A_41] : memref<512x128xf32, #tpu.memory_space<vmem>> -> memref<128x128xf32, #tpu.memory_space<vmem>>
    %dma_start3A_43 = arith.constant 384 : i32
    %dma_start3A_44 = tpu.memref_slice %arg6[%dma_start3A_43] : memref<1024xi32, #tpu.memory_space<vmem>> -> memref<128xi32, #tpu.memory_space<vmem>>
    %dma_start3A_45 = arith.constant 0 : i32
    %dma_start3A_46 = arith.constant 0 : i32
    %dma_start3A_47 = tpu.memref_slice %arg5[%dma_start3A_45, %dma_start3A_46] : memref<16x128xf32, #tpu.memory_space<vmem_shared>> -> memref<16x128xf32, #tpu.memory_space<vmem_shared>>
    %dma_start3A_48 = tpu.memref_slice %arg8[%dma_start3A_39] : memref<4x!tpu.dma_semaphore, #tpu.memory_space<semaphore_mem>> -> memref<1x!tpu.dma_semaphore, #tpu.memory_space<semaphore_mem>>
    %dma_start3A_49 = tpu.memref_squeeze %dma_start3A_48 : memref<1x!tpu.dma_semaphore, #tpu.memory_space<semaphore_mem>> -> memref<!tpu.dma_semaphore, #tpu.memory_space<semaphore_mem>>
    tpu.enqueue_indirect_dma source(%dma_start3A_47 : memref<16x128xf32, #tpu.memory_space<vmem_shared>>) target(%dma_start3A_42 : memref<128x128xf32, #tpu.memory_space<vmem>>) offsets(%dma_start3A_44 : memref<128xi32, #tpu.memory_space<vmem>>) semaphore(%dma_start3A_49 : memref<!tpu.dma_semaphore, #tpu.memory_space<semaphore_mem>>)
    %scan3A = arith.constant 0 : i32
    %scan3A_50 = arith.constant 0 : i32
    %scan3A_51 = arith.constant 8 : i32
    %scan3A_52 = arith.addi %scan3A_50, %scan3A_51 : i32
    %scan3A_53 = arith.constant 1 : i32
    %scan3A_54 = scf.for %scan3A_107 = %scan3A_50 to %scan3A_52 step %scan3A_53 iter_args(%scan3A_108 = %scan3A) -> (i32)  : i32 {
      %rem3A = arith.constant 4 : i32
      %rem3A_109 = arith.remsi %scan3A_107, %rem3A : i32
      %mul3A_110 = arith.constant 128 : i32
      %mul3A_111 = arith.muli %rem3A_109, %mul3A_110 : i32
      %dma_wait3A_112 = arith.constant 0 : i32
      %dma_wait3A_113 = tpu.memref_slice %arg7[%mul3A_111, %dma_wait3A_112] : memref<512x128xf32, #tpu.memory_space<vmem>> -> memref<128x128xf32, #tpu.memory_space<vmem>>
      %dma_wait3A_114 = arith.constant 0 : i32
      %dma_wait3A_115 = tpu.memref_slice %arg4[%mul3A_6, %dma_wait3A_114] : memref<32768x128xf32, #tpu.memory_space<hbm>> -> memref<128x128xf32, #tpu.memory_space<hbm>>
      %dma_wait3A_116 = tpu.memref_slice %arg8[%rem3A_109] : memref<4x!tpu.dma_semaphore, #tpu.memory_space<semaphore_mem>> -> memref<1x!tpu.dma_semaphore, #tpu.memory_space<semaphore_mem>>
      %dma_wait3A_117 = tpu.memref_squeeze %dma_wait3A_116 : memref<1x!tpu.dma_semaphore, #tpu.memory_space<semaphore_mem>> -> memref<!tpu.dma_semaphore, #tpu.memory_space<semaphore_mem>>
      %dma_wait3A_118 = arith.constant 0 : i32
      %dma_wait3A_119 = tpu.memref_slice %arg7[%mul3A_111, %dma_wait3A_118] : memref<512x128xf32, #tpu.memory_space<vmem>> -> memref<128x128xf32, #tpu.memory_space<vmem>>
      %dma_wait3A_120 = arith.constant 0 : i32
      %dma_wait3A_121 = tpu.memref_slice %arg4[%mul3A_6, %dma_wait3A_120] : memref<32768x128xf32, #tpu.memory_space<hbm>> -> memref<128x128xf32, #tpu.memory_space<hbm>>
      tpu.wait_dma2 semaphore(%dma_wait3A_117 : memref<!tpu.dma_semaphore, #tpu.memory_space<semaphore_mem>>) src(%dma_wait3A_121 : memref<128x128xf32, #tpu.memory_space<hbm>>) dst(%dma_wait3A_119 : memref<128x128xf32, #tpu.memory_space<vmem>>)
      %mul3A_122 = arith.constant 128 : i32
      %mul3A_123 = arith.muli %scan3A_107, %mul3A_122 : i32
      %add3A_124 = arith.addi %mul3A_6, %mul3A_123 : i32
      %dma_start3A_125 = arith.constant 0 : i32
      %dma_start3A_126 = tpu.memref_slice %arg7[%mul3A_111, %dma_start3A_125] : memref<512x128xf32, #tpu.memory_space<vmem>> -> memref<128x128xf32, #tpu.memory_space<vmem>>
      %dma_start3A_127 = arith.constant 0 : i32
      %dma_start3A_128 = tpu.memref_slice %arg4[%add3A_124, %dma_start3A_127] : memref<32768x128xf32, #tpu.memory_space<hbm>> -> memref<128x128xf32, #tpu.memory_space<hbm>>
      %dma_start3A_129 = tpu.memref_slice %arg9[%rem3A_109] : memref<4x!tpu.dma_semaphore, #tpu.memory_space<semaphore_mem>> -> memref<1x!tpu.dma_semaphore, #tpu.memory_space<semaphore_mem>>
      %dma_start3A_130 = tpu.memref_squeeze %dma_start3A_129 : memref<1x!tpu.dma_semaphore, #tpu.memory_space<semaphore_mem>> -> memref<!tpu.dma_semaphore, #tpu.memory_space<semaphore_mem>>
      %dma_start3A_131 = arith.constant 0 : i32
      %dma_start3A_132 = tpu.memref_slice %arg4[%add3A_124, %dma_start3A_131] : memref<32768x128xf32, #tpu.memory_space<hbm>> -> memref<128x128xf32, #tpu.memory_space<hbm>>
      %dma_start3A_133 = arith.constant 0 : i32
      %dma_start3A_134 = tpu.memref_slice %arg7[%mul3A_111, %dma_start3A_133] : memref<512x128xf32, #tpu.memory_space<vmem>> -> memref<128x128xf32, #tpu.memory_space<vmem>>
      tpu.enqueue_dma source(%dma_start3A_134 : memref<128x128xf32, #tpu.memory_space<vmem>>) target(%dma_start3A_132 : memref<128x128xf32, #tpu.memory_space<hbm>>) target_semaphore(%dma_start3A_130 : memref<!tpu.dma_semaphore, #tpu.memory_space<semaphore_mem>>)
      %lt3A = arith.constant 4 : i32
      %lt3A_135 = arith.cmpi slt, %scan3A_107, %lt3A : i32
      %convert_element_type3A_136 = arith.extui %lt3A_135 : i1 to i32
      %cond3A_137 = arith.constant 0 : i32
      %cond3A_138 = arith.cmpi ne, %convert_element_type3A_136, %cond3A_137 : i32
      scf.if %cond3A_138 {
        %dma_wait3A_140 = arith.constant 0 : i32
        %dma_wait3A_141 = tpu.memref_slice %arg7[%mul3A_111, %dma_wait3A_140] : memref<512x128xf32, #tpu.memory_space<vmem>> -> memref<128x128xf32, #tpu.memory_space<vmem>>
        %dma_wait3A_142 = arith.constant 0 : i32
        %dma_wait3A_143 = tpu.memref_slice %arg4[%mul3A_6, %dma_wait3A_142] : memref<32768x128xf32, #tpu.memory_space<hbm>> -> memref<128x128xf32, #tpu.memory_space<hbm>>
        %dma_wait3A_144 = tpu.memref_slice %arg9[%rem3A_109] : memref<4x!tpu.dma_semaphore, #tpu.memory_space<semaphore_mem>> -> memref<1x!tpu.dma_semaphore, #tpu.memory_space<semaphore_mem>>
        %dma_wait3A_145 = tpu.memref_squeeze %dma_wait3A_144 : memref<1x!tpu.dma_semaphore, #tpu.memory_space<semaphore_mem>> -> memref<!tpu.dma_semaphore, #tpu.memory_space<semaphore_mem>>
        %dma_wait3A_146 = arith.constant 0 : i32
        %dma_wait3A_147 = tpu.memref_slice %arg4[%mul3A_6, %dma_wait3A_146] : memref<32768x128xf32, #tpu.memory_space<hbm>> -> memref<128x128xf32, #tpu.memory_space<hbm>>
        %dma_wait3A_148 = arith.constant 0 : i32
        %dma_wait3A_149 = tpu.memref_slice %arg7[%mul3A_111, %dma_wait3A_148] : memref<512x128xf32, #tpu.memory_space<vmem>> -> memref<128x128xf32, #tpu.memory_space<vmem>>
        tpu.wait_dma2 semaphore(%dma_wait3A_145 : memref<!tpu.dma_semaphore, #tpu.memory_space<semaphore_mem>>) src(%dma_wait3A_149 : memref<128x128xf32, #tpu.memory_space<vmem>>) dst(%dma_wait3A_147 : memref<128x128xf32, #tpu.memory_space<hbm>>)
        %add3A_150 = arith.constant 4 : i32
        %add3A_151 = arith.addi %scan3A_107, %add3A_150 : i32
        %mul3A_152 = arith.constant 128 : i32
        %mul3A_153 = arith.muli %add3A_151, %mul3A_152 : i32
        %dma_start3A_154 = arith.constant 0 : i32
        %dma_start3A_155 = tpu.memref_slice %arg7[%mul3A_111, %dma_start3A_154] : memref<512x128xf32, #tpu.memory_space<vmem>> -> memref<128x128xf32, #tpu.memory_space<vmem>>
        %dma_start3A_156 = tpu.memref_slice %arg6[%mul3A_153] : memref<1024xi32, #tpu.memory_space<vmem>> -> memref<128xi32, #tpu.memory_space<vmem>>
        %dma_start3A_157 = arith.constant 0 : i32
        %dma_start3A_158 = arith.constant 0 : i32
        %dma_start3A_159 = tpu.memref_slice %arg5[%dma_start3A_157, %dma_start3A_158] : memref<16x128xf32, #tpu.memory_space<vmem_shared>> -> memref<16x128xf32, #tpu.memory_space<vmem_shared>>
        %dma_start3A_160 = tpu.memref_slice %arg8[%rem3A_109] : memref<4x!tpu.dma_semaphore, #tpu.memory_space<semaphore_mem>> -> memref<1x!tpu.dma_semaphore, #tpu.memory_space<semaphore_mem>>
        %dma_start3A_161 = tpu.memref_squeeze %dma_start3A_160 : memref<1x!tpu.dma_semaphore, #tpu.memory_space<semaphore_mem>> -> memref<!tpu.dma_semaphore, #tpu.memory_space<semaphore_mem>>
        tpu.enqueue_indirect_dma source(%dma_start3A_159 : memref<16x128xf32, #tpu.memory_space<vmem_shared>>) target(%dma_start3A_155 : memref<128x128xf32, #tpu.memory_space<vmem>>) offsets(%dma_start3A_156 : memref<128xi32, #tpu.memory_space<vmem>>) semaphore(%dma_start3A_161 : memref<!tpu.dma_semaphore, #tpu.memory_space<semaphore_mem>>)
      } else {
      }
      %scan3A_139 = arith.constant 0 : i32
      scf.yield %scan3A_139 : i32
    }
    %scan3A_55 = arith.constant 8 : i32
    %dma_wait3A = arith.constant 0 : i32
    %dma_wait3A_56 = arith.constant 0 : i32
    %dma_wait3A_57 = arith.constant 0 : i32
    %dma_wait3A_58 = tpu.memref_slice %arg7[%dma_wait3A_56, %dma_wait3A_57] : memref<512x128xf32, #tpu.memory_space<vmem>> -> memref<128x128xf32, #tpu.memory_space<vmem>>
    %dma_wait3A_59 = arith.constant 0 : i32
    %dma_wait3A_60 = tpu.memref_slice %arg4[%mul3A_6, %dma_wait3A_59] : memref<32768x128xf32, #tpu.memory_space<hbm>> -> memref<128x128xf32, #tpu.memory_space<hbm>>
    %dma_wait3A_61 = tpu.memref_slice %arg9[%dma_wait3A] : memref<4x!tpu.dma_semaphore, #tpu.memory_space<semaphore_mem>> -> memref<1x!tpu.dma_semaphore, #tpu.memory_space<semaphore_mem>>
    %dma_wait3A_62 = tpu.memref_squeeze %dma_wait3A_61 : memref<1x!tpu.dma_semaphore, #tpu.memory_space<semaphore_mem>> -> memref<!tpu.dma_semaphore, #tpu.memory_space<semaphore_mem>>
    %dma_wait3A_63 = arith.constant 0 : i32
    %dma_wait3A_64 = tpu.memref_slice %arg4[%mul3A_6, %dma_wait3A_63] : memref<32768x128xf32, #tpu.memory_space<hbm>> -> memref<128x128xf32, #tpu.memory_space<hbm>>
    %dma_wait3A_65 = arith.constant 0 : i32
    %dma_wait3A_66 = arith.constant 0 : i32
    %dma_wait3A_67 = tpu.memref_slice %arg7[%dma_wait3A_65, %dma_wait3A_66] : memref<512x128xf32, #tpu.memory_space<vmem>> -> memref<128x128xf32, #tpu.memory_space<vmem>>
    tpu.wait_dma2 semaphore(%dma_wait3A_62 : memref<!tpu.dma_semaphore, #tpu.memory_space<semaphore_mem>>) src(%dma_wait3A_67 : memref<128x128xf32, #tpu.memory_space<vmem>>) dst(%dma_wait3A_64 : memref<128x128xf32, #tpu.memory_space<hbm>>)
    %dma_wait3A_68 = arith.constant 1 : i32
    %dma_wait3A_69 = arith.constant 128 : i32
    %dma_wait3A_70 = arith.constant 0 : i32
    %dma_wait3A_71 = tpu.memref_slice %arg7[%dma_wait3A_69, %dma_wait3A_70] : memref<512x128xf32, #tpu.memory_space<vmem>> -> memref<128x128xf32, #tpu.memory_space<vmem>>
    %dma_wait3A_72 = arith.constant 0 : i32
    %dma_wait3A_73 = tpu.memref_slice %arg4[%mul3A_6, %dma_wait3A_72] : memref<32768x128xf32, #tpu.memory_space<hbm>> -> memref<128x128xf32, #tpu.memory_space<hbm>>
    %dma_wait3A_74 = tpu.memref_slice %arg9[%dma_wait3A_68] : memref<4x!tpu.dma_semaphore, #tpu.memory_space<semaphore_mem>> -> memref<1x!tpu.dma_semaphore, #tpu.memory_space<semaphore_mem>>
    %dma_wait3A_75 = tpu.memref_squeeze %dma_wait3A_74 : memref<1x!tpu.dma_semaphore, #tpu.memory_space<semaphore_mem>> -> memref<!tpu.dma_semaphore, #tpu.memory_space<semaphore_mem>>
    %dma_wait3A_76 = arith.constant 0 : i32
    %dma_wait3A_77 = tpu.memref_slice %arg4[%mul3A_6, %dma_wait3A_76] : memref<32768x128xf32, #tpu.memory_space<hbm>> -> memref<128x128xf32, #tpu.memory_space<hbm>>
    %dma_wait3A_78 = arith.constant 128 : i32
    %dma_wait3A_79 = arith.constant 0 : i32
    %dma_wait3A_80 = tpu.memref_slice %arg7[%dma_wait3A_78, %dma_wait3A_79] : memref<512x128xf32, #tpu.memory_space<vmem>> -> memref<128x128xf32, #tpu.memory_space<vmem>>
    tpu.wait_dma2 semaphore(%dma_wait3A_75 : memref<!tpu.dma_semaphore, #tpu.memory_space<semaphore_mem>>) src(%dma_wait3A_80 : memref<128x128xf32, #tpu.memory_space<vmem>>) dst(%dma_wait3A_77 : memref<128x128xf32, #tpu.memory_space<hbm>>)
    %dma_wait3A_81 = arith.constant 2 : i32
    %dma_wait3A_82 = arith.constant 256 : i32
    %dma_wait3A_83 = arith.constant 0 : i32
    %dma_wait3A_84 = tpu.memref_slice %arg7[%dma_wait3A_82, %dma_wait3A_83] : memref<512x128xf32, #tpu.memory_space<vmem>> -> memref<128x128xf32, #tpu.memory_space<vmem>>
    %dma_wait3A_85 = arith.constant 0 : i32
    %dma_wait3A_86 = tpu.memref_slice %arg4[%mul3A_6, %dma_wait3A_85] : memref<32768x128xf32, #tpu.memory_space<hbm>> -> memref<128x128xf32, #tpu.memory_space<hbm>>
    %dma_wait3A_87 = tpu.memref_slice %arg9[%dma_wait3A_81] : memref<4x!tpu.dma_semaphore, #tpu.memory_space<semaphore_mem>> -> memref<1x!tpu.dma_semaphore, #tpu.memory_space<semaphore_mem>>
    %dma_wait3A_88 = tpu.memref_squeeze %dma_wait3A_87 : memref<1x!tpu.dma_semaphore, #tpu.memory_space<semaphore_mem>> -> memref<!tpu.dma_semaphore, #tpu.memory_space<semaphore_mem>>
    %dma_wait3A_89 = arith.constant 0 : i32
    %dma_wait3A_90 = tpu.memref_slice %arg4[%mul3A_6, %dma_wait3A_89] : memref<32768x128xf32, #tpu.memory_space<hbm>> -> memref<128x128xf32, #tpu.memory_space<hbm>>
    %dma_wait3A_91 = arith.constant 256 : i32
    %dma_wait3A_92 = arith.constant 0 : i32
    %dma_wait3A_93 = tpu.memref_slice %arg7[%dma_wait3A_91, %dma_wait3A_92] : memref<512x128xf32, #tpu.memory_space<vmem>> -> memref<128x128xf32, #tpu.memory_space<vmem>>
    tpu.wait_dma2 semaphore(%dma_wait3A_88 : memref<!tpu.dma_semaphore, #tpu.memory_space<semaphore_mem>>) src(%dma_wait3A_93 : memref<128x128xf32, #tpu.memory_space<vmem>>) dst(%dma_wait3A_90 : memref<128x128xf32, #tpu.memory_space<hbm>>)
    %dma_wait3A_94 = arith.constant 3 : i32
    %dma_wait3A_95 = arith.constant 384 : i32
    %dma_wait3A_96 = arith.constant 0 : i32
    %dma_wait3A_97 = tpu.memref_slice %arg7[%dma_wait3A_95, %dma_wait3A_96] : memref<512x128xf32, #tpu.memory_space<vmem>> -> memref<128x128xf32, #tpu.memory_space<vmem>>
    %dma_wait3A_98 = arith.constant 0 : i32
    %dma_wait3A_99 = tpu.memref_slice %arg4[%mul3A_6, %dma_wait3A_98] : memref<32768x128xf32, #tpu.memory_space<hbm>> -> memref<128x128xf32, #tpu.memory_space<hbm>>
    %dma_wait3A_100 = tpu.memref_slice %arg9[%dma_wait3A_94] : memref<4x!tpu.dma_semaphore, #tpu.memory_space<semaphore_mem>> -> memref<1x!tpu.dma_semaphore, #tpu.memory_space<semaphore_mem>>
    %dma_wait3A_101 = tpu.memref_squeeze %dma_wait3A_100 : memref<1x!tpu.dma_semaphore, #tpu.memory_space<semaphore_mem>> -> memref<!tpu.dma_semaphore, #tpu.memory_space<semaphore_mem>>
    %dma_wait3A_102 = arith.constant 0 : i32
    %dma_wait3A_103 = tpu.memref_slice %arg4[%mul3A_6, %dma_wait3A_102] : memref<32768x128xf32, #tpu.memory_space<hbm>> -> memref<128x128xf32, #tpu.memory_space<hbm>>
    %dma_wait3A_104 = arith.constant 384 : i32
    %dma_wait3A_105 = arith.constant 0 : i32
    %dma_wait3A_106 = tpu.memref_slice %arg7[%dma_wait3A_104, %dma_wait3A_105] : memref<512x128xf32, #tpu.memory_space<vmem>> -> memref<128x128xf32, #tpu.memory_space<vmem>>
    tpu.wait_dma2 semaphore(%dma_wait3A_101 : memref<!tpu.dma_semaphore, #tpu.memory_space<semaphore_mem>>) src(%dma_wait3A_106 : memref<128x128xf32, #tpu.memory_space<vmem>>) dst(%dma_wait3A_103 : memref<128x128xf32, #tpu.memory_space<hbm>>)
    return
  }
}

</mosaic_0001>

<sc_bundles>
// kernel: kernel.3.cloned.1.call-start
scs
__scs_entry_jumppad:
0x0: {  	(pc) =	sbr.rel $0x88, $3  }
0x1: {  	(tag) =	ssettag $0x0;
	lr =	simm.s32 $0x1  }
0x2: {  	[smem:$0x3F9F] =	sst lr;
	_ =	strace $0xD0000000  }
0x3: {  	_ = 	snop  }
0x4: {  	_ = 	snop  }
0x5: {  	_ = 	snop  }
0x6: {  	_ = 	snop  }
0x7: {  	_ = 	snop  }
__scs_overlays_trampoline_lowered:
0x8: {  	[smem:$0x3FAE] =	sst s0  }
0x9: {  	[smem:$0x3FAF] =	sst s1  }
0xa: {  	[smem:$0x3FB0] =	sst s2  }
0xb: {  	[smem:$0x3FB1] =	sst s3  }
0xc: {  	[smem:$0x3FB2] =	sst s4  }
0xd: {  	[smem:$0x3FB3] =	sst s5  }
0xe: {  	[smem:$0x3FB4] =	sst s6  }
0xf: {  	[smem:$0x3FB5] =	sst s7  }
0x10: {  	[smem:$0x3FB6] =	sst s8  }
0x11: {  	[smem:$0x3FB7] =	sst s9;
	s0 =	simm.s32 @!p0 $0x0  }
0x12: {  	s1 =	sld [smem:$0x3F9D];
	s0 =	simm.s32 @p0 $0x1  }
0x13: {  	[smem:$0x3FB8] =	sst s0;
	s0 =	simm.s32 @!p1 $0x0  }
0x14: {  	s2 =	sld [smem:$0x3F9C];
	s0 =	simm.s32 @p1 $0x1  }
0x15: {  	[smem:$0x3FB9] =	sst s0;
	s0 =	simm.s32 @!p2 $0x0  }
0x16: {  	s3 =	sld [smem:$0x3FDB];
	s0 =	simm.s32 @p2 $0x1  }
0x17: {  	s4 =	simm.s32 $0x1BF5;
	[smem:$0x3FBB] =	sst s0  }
0x18: {  	s0 =	sld [smem:$0x3F9E];
	_ =	swait.ge [sflag:s4], $0x0  }
0x19: {  	s7 =	sld [smem:$0x3F9F]  }
0x1a: {  	s8 =	sadd.s32 $0xFFFFE003, lr  }
0x1b: {  	s9 =	sadd.s32 $0xFFFFFEF7, lr;
	s5 =	simm.s32 $0xFFFFFFFF;
	p2 =	slt.u32 s8, $0xFFFFF086  }
0x1c: {  	p1 =	slt.u32 s9, $0xF7A;
	s5 =	simm.s32 @!p2 $0x0  }
0x1d: {  	s5 =	simm.s32 @p1 $0x1;
	p0 =	seq.s32 s7, s2  }
0x1e: {  	s7 =	smul.u32 @!p0 $0xF7A, s2;
	p2 =	seq.s32 @!p0 s5, $0x0  }
0x1f: {  	s9 =	smul.u32 $0xF7A, s1;
	s8 =	simm.s32 @!p0 $0x1BF5;
	p2 =	por !p2, p0  }
0x20: {  	[sflag:s8] =	ssyncset.s32 @!p0 $0xFFFFF086;
	s6 =	sadd.s32 @!p0 s3, s7;
	s7 =	simm.s32 @!p0 $0x108  }
0x21: {  	s3 =	sadd.s32 s3, s9;
	s6 =	sadd.s32 @!p0 $0x88, s6;
	s7 =	simm.s32 @p2 $0x1082  }
0x22: {  	[simem:s7], [sflag:s8] =	dma.local @!p0 [hbm:s6], $0xF7A  }
0x23: {  	s9 =	sor.u32 $0xD0000000, s2;
	s6 =	simm.s32 $0x108;
	_ =	swait.ge @!p0 [sflag:s8], $0x0  }
0x24: {  	s3 =	sadd.s32 $0x88, s3;
	s6 =	simm.s32 @!p1 $0x1082;
	[sflag:s4] =	ssyncset.s32 $0xFFFFF086  }
0x25: {  	[simem:s6], [sflag:s4] =	dma.local [hbm:s3], $0xF7A  }
0x26: {  	[smem:$0x3F9F] =	sst s1;
	(tag) =	ssettag s2;
	_ =	strace s9  }
0x27: {  	s1 =	sld [smem:$0x3FAF]  }
0x28: {  	s2 =	sld [smem:$0x3FB0]  }
0x29: {  	s4 =	sld [smem:$0x3FB2]  }
0x2a: {  	p0 =	seq.s32 s5, $0x0;
	s5 =	sld [smem:$0x3FB3]  }
0x2b: {  	s6 =	sld [smem:$0x3FB4]  }
0x2c: {  	s7 =	sld [smem:$0x3FB5]  }
0x2d: {  	s3 =	simm.s32 $0x108;
	s8 =	sld [smem:$0x3FB6]  }
0x2e: {  	s3 =	simm.s32 @!p0 $0x1082;
	s9 =	sld [smem:$0x3FB7]  }
0x2f: {  	lr =	sadd.s32 s0, s3;
	s0 =	sld [smem:$0x3FAE]  }
0x30: {  	s3 =	sld [smem:$0x3FB1]  }
0x31: {  	[smem:$0x3FBA] =	sst s10  }
0x32: {  	s10 =	sld [smem:$0x3FB8];
	_ =	sdelay $0x3  }
0x33: {  	p0 =	seq.s32 s10, $0x1;
	s10 =	sld [smem:$0x3FBA];
	_ =	sdelay $0x3  }
0x34: {  	[smem:$0x3FBA] =	sst s10  }
0x35: {  	s10 =	sld [smem:$0x3FB9];
	_ =	sdelay $0x3  }
0x36: {  	p1 =	seq.s32 s10, $0x1;
	s10 =	sld [smem:$0x3FBA];
	_ =	sdelay $0x3  }
0x37: {  	[smem:$0x3FBA] =	sst s10  }
0x38: {  	s10 =	sld [smem:$0x3FBB]  }
0x39: {  	_ = 	snop;
	(pc) =	sbr.ind lr, $3  }
0x3a: {  	_ = 	snop  }
0x3b: {  	_ = 	snop  }
0x3c: {  	p2 =	seq.s32 s10, $0x1;
	s10 =	sld [smem:$0x3FBA]  }
0x3d: {  	_ =	shalt  }
0x3e: {  	_ =	shalt  }
0x3f: {  	_ =	shalt  }
0x40: {  	_ =	shalt  }
0x41: {  	_ =	shalt  }
0x42: {  	_ =	shalt  }
0x43: {  	_ =	shalt  }
0x44: {  	_ =	shalt  }
0x45: {  	_ =	shalt  }
0x46: {  	_ =	shalt  }
0x47: {  	_ =	shalt  }
0x48: {  	_ =	shalt  }
0x49: {  	_ =	shalt  }
0x4a: {  	_ =	shalt  }
0x4b: {  	_ =	shalt  }
0x4c: {  	_ =	shalt  }
0x4d: {  	_ =	shalt  }
0x4e: {  	_ =	shalt  }
0x4f: {  	_ =	shalt  }
0x50: {  	_ =	shalt  }
0x51: {  	_ =	shalt  }
0x52: {  	_ =	shalt  }
0x53: {  	_ =	shalt  }
0x54: {  	_ =	shalt  }
0x55: {  	_ =	shalt  }
0x56: {  	_ =	shalt  }
0x57: {  	_ =	shalt  }
0x58: {  	_ =	shalt  }
0x59: {  	_ =	shalt  }
0x5a: {  	_ =	shalt  }
0x5b: {  	_ =	shalt  }
0x5c: {  	_ =	shalt  }
0x5d: {  	_ =	shalt  }
0x5e: {  	_ =	shalt  }
0x5f: {  	_ =	shalt  }
0x60: {  	_ =	shalt  }
0x61: {  	_ =	shalt  }
0x62: {  	_ =	shalt  }
0x63: {  	_ =	shalt  }
0x64: {  	_ =	shalt  }
0x65: {  	_ =	shalt  }
0x66: {  	_ =	shalt  }
0x67: {  	_ =	shalt  }
0x68: {  	_ =	shalt  }
0x69: {  	_ =	shalt  }
0x6a: {  	_ =	shalt  }
0x6b: {  	_ =	shalt  }
0x6c: {  	_ =	shalt  }
0x6d: {  	_ =	shalt  }
0x6e: {  	_ =	shalt  }
0x6f: {  	_ =	shalt  }
0x70: {  	_ =	shalt  }
0x71: {  	_ =	shalt  }
0x72: {  	_ =	shalt  }
0x73: {  	_ =	shalt  }
0x74: {  	_ =	shalt  }
0x75: {  	_ =	shalt  }
0x76: {  	_ =	shalt  }
0x77: {  	_ =	shalt  }
0x78: {  	_ =	shalt  }
0x79: {  	_ =	shalt  }
0x7a: {  	_ =	shalt  }
0x7b: {  	_ =	shalt  }
0x7c: {  	_ =	shalt  }
0x7d: {  	_ =	shalt  }
0x7e: {  	_ =	shalt  }
0x7f: {  	_ =	shalt  }
0x80: {  	_ =	shalt  }
0x81: {  	_ =	shalt  }
0x82: {  	_ =	shalt  }
0x83: {  	_ =	shalt  }
0x84: {  	_ =	shalt  }
0x85: {  	_ =	shalt  }
0x86: {  	_ =	shalt  }
0x87: {  	_ =	shalt  }
.Lfunc_end0:
.L_simem_size_0:
called_computation_lowered:
.L_overlay_start_0:
0x88: {  	s2 =	sld [smem:$0x3FD9]  }
0x89: {  	s3 =	sld [smem:$0x3FFE];
	_ =	sdelay $0x1  }
0x8a: {  	s1 =	srdreg.scid  }
0x8b: {  	s0 =	sand.u32 $0x1, s1  }
0x8c: {  	s17 =	sshll.u32 s0, $0xA;
	s2 =	sadd.s32 s3, s2  }
0x8d: {  	s2 =	sadd.s32 s2, s17  }
0x8e: {  	[smem:$0x3FC6] =	sst s2  }
0x8f: {  	_ = 	snop  }
0x90: {  	s2 =	sld [smem:$0x3FC8]  }
0x91: {  	s18 =	sld [smem:$0x3FD0];
	(tm) =	ssettm $0x1  }
0x92: {  	s4 =	sld [smem:$0x3FFB];
	_ =	sdelay $0x3  }
0x93: {  	_ =	strace s4  }
0x94: {  	s4 =	sld [smem:$0x3FFC];
	_ =	sdelay $0x3  }
0x95: {  	_ =	strace s4  }
0x96: {  	s4 =	sld [smem:$0x3FFD];
	_ =	sdelay $0x3  }
0x97: {  	_ =	strace s4  }
0x98: {  	_ =	strace $0x8FFFFFFF  }
0x99: {  	s19 =	sld [smem:$0x3FDB];
	_ =	sdelay $0x1  }
0x9a: {  	s5 =	simm.s32 $_scs_section_size  }
0x9b: {  	s6 =	simm.s32 $_size__tile_overlayer_lowered;
	s7 =	simm.s32 $_tile_overlayer_lowered  }
0x9c: {  	s22 =	simm.s32 $0x1BFF;
	s21 =	sshll.u32 s7, $0x1;
	s4 =	sadd.s32 s5, s19  }
0x9d: {  	s8 =	simm.s32 $0x0;
	s20 =	sshll.u32 s6, $0x1;
	s6 =	sadd.s32 s21, s4  }
0x9e: {  	[timem:s8], [sflag:s22] =	dma.local [hbm:s6], s20  }
0x9f: {  	_ =	swait.ge [sflag:s22], s20  }
0xa0: {  	s5 =	ssub.s32 $0x0, s20;
	[sflag:s22] =	ssyncset.done $0x0  }
0xa1: {  	[sflag:s22] =	ssyncadd.s32 s5;
	_ =	sdelay $0x1  }
0xa2: {  	s23 =	simm.s32 $0x1B8B  }
0xa3: {  	_ =	swait.ge [sflag:s23], $0x1  }
0xa4: {  	[sflag:s23] =	ssyncset.done $0x0  }
0xa5: {  	s25 =	simm.s32 $0x1B8E;
	s24 =	sld [smem:$0x3FFE];
	[sflag:s23] =	ssyncadd.s32 $0xFFFFFFFF  }
0xa6: {  	s26 =	simm.s32 $execute0_lowered;
	[smem:$0x3FD2] =	sst s25  }
0xa7: {  	s6 =	sshll.u32 s26, $0x1;
	_ =	strace $0x80000046;
	[dreg:$0x1] =	wrdreg $0xFFFFFFFF  }
0xa8: {  	s28 =	simm.s32 $_size_execute0_lowered;
	s4 =	sadd.s32 s4, s6;
	[dreg:$0x0] =	wrdreg $0x0  }
0xa9: {  	s6 =	sshll.u32 s28, $0x1;
	[dreg:$0x2] =	wrdreg s4  }
0xaa: {  	[dreg:$0x3] =	wrdreg s6  }
0xab: {  	[dreg:$0x4] =	wrdreg $0xC0  }
0xac: {  	_ =	task [dreg:s8], $0x5FFFF  }
0xad: {  	[dreg:$0x1] =	wrdreg $0xFFFFFFFF  }
0xae: {  	[dreg:$0x0] =	wrdreg $0x60  }
0xaf: {  	[dreg:$0x2] =	wrdreg s2  }
0xb0: {  	[dreg:$0x3] =	wrdreg s24  }
0xb1: {  	[dreg:$0x4] =	wrdreg s18  }
0xb2: {  	[dreg:$0x5] =	wrdreg $0x0  }
0xb3: {  	[dreg:$0x6] =	wrdreg $0x9  }
0xb4: {  	_ =	task.clear_ibuf [dreg:s8], $0x7FFFF;
	_ =	strace $0x90000046  }
0xb5: {  	s29 =	simm.s32 $0x9;
	_ =	strace $0x80000048  }
0xb6: {  	_ =	swait.ge [sflag:s29], $0x1  }
0xb7: {  	[sflag:s29] =	ssyncadd.s32 $0xFFFFFFFF  }
0xb8: {  	_ =	strace $0x90000048  }
0xb9: {  	_ =	sfence  }
0xba: {  	s30 =	sld [smem:$0x0];
	_ =	sdelay $0x2  }
0xbb: {  	s31 =	sshll.u32 s1, $0xD;
	s1 =	sshrl.u32 s1, $0x2  }
0xbc: {  	s3 =	sand.u32 $0x4000, s31;
	s1 =	sadd.s32 s1, s30  }
0xbd: {  	s0 =	sor.u32 s3, s0;
	s1 =	sshll.u32 s1, $0x11  }
0xbe: {  	s0 =	sor.u32 s1, s0  }
0xbf: {  	s0 =	sadd.s32 $0x8F2B, s0  }
0xc0: {  	[sflag:s0] =	ssyncadd.remote.s32 $0x1  }
0xc1: {  	_ =	sfence.sel $0xFFFF  }
0xc2: {  	[dreg:$0x0] =	wrdreg $0xFFFFFFFF;
	(pc) =	sbr.abs _section_cstart, $3  }
0xc3: {  	[dreg:$0x1] =	wrdreg $0xFFFFFFFF  }
0xc4: {  	_ =	task.clear_ibuf [dreg:s8], $0x2FFFF;
	_ =	strace $0x9FFFFFFF  }
0xc5: {  	(tm) =	ssettm $0x7FFFFFFF  }
tec
execute0_lowered:
.L_overlay_start_1:
0x0: {  	(tag) =	ssettag $0x1  }
0x1: {  	s0 =	rddreg [dreg:$0x0]  }
0x2: {  	s3 =	rddreg [dreg:$0x1]  }
0x3: {  	s4 =	rddreg [dreg:$0x2]  }
0x4: {  	s21 =	srdreg.scid;
	s2 =	rddreg [dreg:$0x3]  }
0x5: {  	s5 =	stileid.u32;
	s30 =	rddreg [dreg:$0x4];
	s13 =	simm.s32 $0x80  }
0x6: {  	s12 =	simm.s32 $0x480;
	s11 =	simm.s32 $0x4480;
	s9 =	simm.s32 $0x8480  }
0x7: {  	s8 =	simm.s32 $0xC480;
	s17 =	simm.s32 $0x1;
	s15 =	simm.s32 $0x2  }
0x8: {  	s14 =	simm.s32 $0x3;
	s20 =	simm.s32 $0x380;
	p1 =	por $0x0, $0x0  }
0x9: {  	s16 =	simm.s32 $0x4;
	s10 =	simm.s32 $0x8;
	s19 =	simm.s32 $0x400  }
0xa: {  	[dreg:$0x5] =	wrdreg s0;
	s0 =	sand.u32 $0x1, s21;
	s1 =	sshll.u32 s5, $0xB  }
0xb: {  	p0 =	sne.s32 s5, $0x0;
	s5 =	simm.s32 $0x5;
	s21 =	simm.s32 $0x300  }
0xc: {  	s6 =	sshll.u32 s0, $0xA;
	s0 =	ssub.s32 $0x2, s0;
	s28 =	sshrl.u32 @!p0 s2, $0x3  }
0xd: {  	s6 =	sor.u32 s6, s1;
	s1 =	simm.s32 $0x0;
	s24 =	sshrl.u32 s0, $0x1  }
0xe: {  	s7 =	sshrl.u32 s6, $0x3;
	[smem:$0x7FF] =	sst s1;
	s6 =	sshll.u32 s6, $0x4  }
0xf: {  	s0 =	ssub.s32 s0, s24;
	s24 =	simm.s32 $0x9;
	s3 =	sadd.s32 s7, s3  }
0x10: {  	_ =	strace $0x80000047;
	s18 =	sadd.s32 s4, s6;
	s0 =	smax.u32 s0, $0x1  }
0x11: {  	s3 =	sadd.s32 $0x400, s3;
	s31 =	sadd.s32 $0xFFFFFFFF, s0;
	s0 =	rddreg [dreg:$0x5]  }
0x12: {  	s6 =	simm.s32 $0x6;
	s22 =	sadd.s32 $0x800, s18;
	[dreg:$0x6] =	wrdreg s3  }
0x13: {  	s23 =	sadd.s32 $0x1000, s18;
	[dreg:$0x7] =	wrdreg s22;
	p2 =	sne.s32 s31, $0x0  }
.Ltmp0:
0x14: {  	s25 =	sadd.s32 $0x1800, s18;
	[dreg:$0x8] =	wrdreg s23;
	(pc) =	sbr.rel @!p2 .LBB2_5-.Ltmp0, $4  }
0x15: {  	s7 =	simm.s32 $0x7;
	s26 =	sadd.s32 $0x2000, s18;
	[dreg:$0x9] =	wrdreg s25  }
0x16: {  	s29 =	sadd.s32 $0x2800, s18;
	s4 =	sadd.s32 $0x3000, s18;
	[dreg:$0xa] =	wrdreg s26  }
0x17: {  	[dreg:$0xb] =	wrdreg s29;
	s3 =	sadd.s32 $0x3800, s18;
	s23 =	simm.s32 $0x100  }
0x18: {  	s25 =	simm.s32 $0x180;
	s26 =	simm.s32 $0x200;
	s22 =	simm.s32 $0x280  }
0x19: {  	s29 =	simm.s32 @!p0 $0x1C09;
	s30 =	simm.s32 @!p0 $0x9  }
0x1a: {  	[spmem:s28], [sflag:s29] =	dma.local @!p0 [hbm:s0], $0x100  }
0x1b: {  	_ =	swait.ge @!p0 [sflag:s30], $0x100  }
0x1c: {  	[sflag:s30] =	ssyncset.done @!p0 $0x0  }
0x1d: {  	s0 =	rddreg [dreg:$0x6];
	[sflag:s30] =	ssyncadd.s32 @!p0 $0xFFFFFF00  }
0x1e: {  	[tilespmem:s13], [sflag:$0x9] =	stream.linear.gather [hbm4b:s0+s1], $0x400, $0x38;
	[tilespmem:$0x10480] =	vst v63  }
0x1f: {  	_ =	swait.ge [sflag:s24], $0x400  }
0x20: {  	[sflag:s24] =	ssyncset.done $0x0  }
0x21: {  	[sflag:s24] =	ssyncadd.s32 $0xFFFFFC00  }
0x22: {  	[bflag:$0x0] =	sbarrier.arrive $0xFFFF  }
0x23: {  	[tilespmem:s12], [sflag:$0x1] =	stream.indirect.gather [spmem:s2], $0x80, s13, s13, $0xb8;
	[tilespmem:$0x10480] =	vst v63  }
0x24: {  	_ = 	snop  }
0x25: {  	[tilespmem:s11], [sflag:$0x2] =	stream.indirect.gather [spmem:s2], $0x80, s23, s13, $0xb8;
	[tilespmem:$0x10480] =	vst v63  }
0x26: {  	_ = 	snop  }
0x27: {  	[tilespmem:s9], [sflag:$0x3] =	stream.indirect.gather [spmem:s2], $0x80, s25, s13, $0xb8;
	[tilespmem:$0x10480] =	vst v63  }
0x28: {  	_ = 	snop  }
0x29: {  	[tilespmem:s8], [sflag:$0x4] =	stream.indirect.gather [spmem:s2], $0x80, s26, s13, $0xb8;
	[tilespmem:$0x10480] =	vst v63  }
0x2a: {  	_ =	swait.ge [sflag:s17], $0x4000  }
0x2b: {  	[sflag:s17] =	ssyncset.done $0x0  }
0x2c: {  	[sflag:s17] =	ssyncadd.s32 $0xFFFFC000  }
0x2d: {  	[hbm4b:s18+s1] =	stream.linear.scatter [tilespmem:s12], [sflag:$0x5], $0x4000, $0x38;
	[tilespmem:$0x10480] =	vst v63  }
0x2e: {  	_ =	swait.ge [sflag:s5], $0x4000  }
0x2f: {  	[sflag:s5] =	ssyncset.done $0x0  }
0x30: {  	[sflag:s5] =	ssyncadd.s32 $0xFFFFC000  }
0x31: {  	[tilespmem:s12], [sflag:$0x1] =	stream.indirect.gather [spmem:s2], $0x80, s22, s13, $0xb8;
	[tilespmem:$0x10480] =	vst v63  }
0x32: {  	_ =	swait.ge [sflag:s15], $0x4000  }
0x33: {  	[sflag:s15] =	ssyncset.done $0x0  }
0x34: {  	s0 =	rddreg [dreg:$0x7];
	[sflag:s15] =	ssyncadd.s32 $0xFFFFC000  }
0x35: {  	[hbm4b:s0+s1] =	stream.linear.scatter [tilespmem:s11], [sflag:$0x6], $0x4000, $0x38;
	[tilespmem:$0x10480] =	vst v63  }
0x36: {  	_ =	swait.ge [sflag:s6], $0x4000  }
0x37: {  	[sflag:s6] =	ssyncset.done $0x0  }
0x38: {  	[sflag:s6] =	ssyncadd.s32 $0xFFFFC000  }
0x39: {  	[tilespmem:s11], [sflag:$0x2] =	stream.indirect.gather [spmem:s2], $0x80, s21, s13, $0xb8;
	[tilespmem:$0x10480] =	vst v63  }
0x3a: {  	_ =	swait.ge [sflag:s14], $0x4000  }
0x3b: {  	[sflag:s14] =	ssyncset.done $0x0  }
0x3c: {  	s0 =	rddreg [dreg:$0x8];
	[sflag:s14] =	ssyncadd.s32 $0xFFFFC000  }
0x3d: {  	[hbm4b:s0+s1] =	stream.linear.scatter [tilespmem:s9], [sflag:$0x7], $0x4000, $0x38;
	[tilespmem:$0x10480] =	vst v63  }
0x3e: {  	_ =	swait.ge [sflag:s7], $0x4000  }
0x3f: {  	[sflag:s7] =	ssyncset.done $0x0  }
0x40: {  	[sflag:s7] =	ssyncadd.s32 $0xFFFFC000  }
0x41: {  	[tilespmem:s9], [sflag:$0x3] =	stream.indirect.gather [spmem:s2], $0x80, s20, s13, $0xb8;
	[tilespmem:$0x10480] =	vst v63  }
0x42: {  	_ =	swait.ge [sflag:s16], $0x4000  }
0x43: {  	[sflag:s16] =	ssyncset.done $0x0  }
0x44: {  	s0 =	rddreg [dreg:$0x9];
	[sflag:s16] =	ssyncadd.s32 $0xFFFFC000  }
0x45: {  	[hbm4b:s0+s1] =	stream.linear.scatter [tilespmem:s8], [sflag:$0x8], $0x4000, $0x38;
	[tilespmem:$0x10480] =	vst v63  }
0x46: {  	_ =	swait.ge [sflag:s10], $0x4000  }
0x47: {  	[sflag:s10] =	ssyncset.done $0x0  }
0x48: {  	[sflag:s10] =	ssyncadd.s32 $0xFFFFC000  }
0x49: {  	[tilespmem:s8], [sflag:$0x4] =	stream.indirect.gather [spmem:s2], $0x80, s19, s13, $0xb8;
	[tilespmem:$0x10480] =	vst v63  }
0x4a: {  	_ =	swait.ge [sflag:s17], $0x4000  }
0x4b: {  	[sflag:s17] =	ssyncset.done $0x0  }
0x4c: {  	s0 =	rddreg [dreg:$0xa];
	[sflag:s17] =	ssyncadd.s32 $0xFFFFC000  }
0x4d: {  	[hbm4b:s0+s1] =	stream.linear.scatter [tilespmem:s12], [sflag:$0x5], $0x4000, $0x38;
	[tilespmem:$0x10480] =	vst v63  }
0x4e: {  	_ =	swait.ge [sflag:s15], $0x4000  }
0x4f: {  	[sflag:s15] =	ssyncset.done $0x0  }
0x50: {  	s0 =	rddreg [dreg:$0xb];
	[sflag:s15] =	ssyncadd.s32 $0xFFFFC000  }
0x51: {  	[hbm4b:s0+s1] =	stream.linear.scatter [tilespmem:s11], [sflag:$0x6], $0x4000, $0x38;
	[tilespmem:$0x10480] =	vst v63  }
0x52: {  	_ =	swait.ge [sflag:s14], $0x4000  }
0x53: {  	[sflag:s14] =	ssyncset.done $0x0  }
0x54: {  	[sflag:s14] =	ssyncadd.s32 $0xFFFFC000  }
0x55: {  	[hbm4b:s4+s1] =	stream.linear.scatter [tilespmem:s9], [sflag:$0x7], $0x4000, $0x38;
	[tilespmem:$0x10480] =	vst v63  }
0x56: {  	_ =	swait.ge [sflag:s16], $0x4000  }
0x57: {  	[sflag:s16] =	ssyncset.done $0x0  }
0x58: {  	[sflag:s16] =	ssyncadd.s32 $0xFFFFC000  }
0x59: {  	[hbm4b:s3+s1] =	stream.linear.scatter [tilespmem:s8], [sflag:$0x8], $0x4000, $0x38;
	[tilespmem:$0x10480] =	vst v63  }
0x5a: {  	_ =	swait.ge [sflag:s5], $0x4000  }
0x5b: {  	[sflag:s5] =	ssyncset.done $0x0  }
0x5c: {  	[sflag:s5] =	ssyncadd.s32 $0xFFFFC000  }
0x5d: {  	_ =	swait.ge [sflag:s6], $0x4000  }
0x5e: {  	s31 =	sadd.s32 $0xFFFFFFFF, s31;
	[sflag:s6] =	ssyncset.done $0x0  }
0x5f: {  	p2 =	sne.s32 s31, $0x0;
	[sflag:s6] =	ssyncadd.s32 $0xFFFFC000  }
.Ltmp1:
0x60: {  	_ =	swait.ge [sflag:s7], $0x4000;
	(pc) =	sbr.rel @!p2 .LBB2_2-.Ltmp1, $4  }
0x61: {  	[sflag:s7] =	ssyncset.done $0x0  }
0x62: {  	[sflag:s7] =	ssyncadd.s32 $0xFFFFC000  }
0x63: {  	_ =	swait.ge [sflag:s10], $0x4000  }
0x64: {  	p1 =	por $0x1, $0x1;
	s0 =	rddreg [dreg:$0x5];
	[sflag:s10] =	ssyncset.done $0x0  }
.LBB2_3:
0x65: {  	[sflag:s10] =	ssyncadd.s32 $0xFFFFC000  }
0x66: {  	[spmem:s28], [sflag:s29] =	dma.local @!p0 [hbm:s0], $0x100  }
0x67: {  	_ =	swait.ge @!p0 [sflag:s30], $0x100  }
0x68: {  	[sflag:s30] =	ssyncset.done @!p0 $0x0  }
0x69: {  	s0 =	rddreg [dreg:$0x6];
	[sflag:s30] =	ssyncadd.s32 @!p0 $0xFFFFFF00  }
0x6a: {  	[tilespmem:s13], [sflag:$0x9] =	stream.linear.gather [hbm4b:s0+s1], $0x400, $0x38;
	[tilespmem:$0x10480] =	vst v63  }
0x6b: {  	_ =	swait.ge [sflag:s24], $0x400  }
0x6c: {  	[sflag:s24] =	ssyncset.done $0x0  }
0x6d: {  	[sflag:s24] =	ssyncadd.s32 $0xFFFFFC00  }
0x6e: {  	[bflag:$0x0] =	sbarrier.arrive $0xFFFF  }
0x6f: {  	[tilespmem:s12], [sflag:$0x1] =	stream.indirect.gather [spmem:s2], $0x80, s13, s13, $0xb8;
	[tilespmem:$0x10480] =	vst v63  }
0x70: {  	_ = 	snop  }
0x71: {  	[tilespmem:s11], [sflag:$0x2] =	stream.indirect.gather [spmem:s2], $0x80, s23, s13, $0xb8;
	[tilespmem:$0x10480] =	vst v63  }
0x72: {  	_ = 	snop  }
0x73: {  	[tilespmem:s9], [sflag:$0x3] =	stream.indirect.gather [spmem:s2], $0x80, s25, s13, $0xb8;
	[tilespmem:$0x10480] =	vst v63  }
0x74: {  	_ = 	snop  }
0x75: {  	[tilespmem:s8], [sflag:$0x4] =	stream.indirect.gather [spmem:s2], $0x80, s26, s13, $0xb8;
	[tilespmem:$0x10480] =	vst v63  }
0x76: {  	_ =	swait.ge [sflag:s17], $0x4000  }
0x77: {  	[sflag:s17] =	ssyncset.done $0x0  }
0x78: {  	[sflag:s17] =	ssyncadd.s32 $0xFFFFC000  }
0x79: {  	[hbm4b:s18+s1] =	stream.linear.scatter [tilespmem:s12], [sflag:$0x5], $0x4000, $0x38;
	[tilespmem:$0x10480] =	vst v63  }
0x7a: {  	_ =	swait.ge [sflag:s5], $0x4000  }
0x7b: {  	[sflag:s5] =	ssyncset.done $0x0  }
0x7c: {  	[sflag:s5] =	ssyncadd.s32 $0xFFFFC000  }
0x7d: {  	[tilespmem:s12], [sflag:$0x1] =	stream.indirect.gather [spmem:s2], $0x80, s22, s13, $0xb8;
	[tilespmem:$0x10480] =	vst v63  }
0x7e: {  	_ =	swait.ge [sflag:s15], $0x4000  }
0x7f: {  	[sflag:s15] =	ssyncset.done $0x0  }
0x80: {  	s0 =	rddreg [dreg:$0x7];
	[sflag:s15] =	ssyncadd.s32 $0xFFFFC000  }
0x81: {  	[hbm4b:s0+s1] =	stream.linear.scatter [tilespmem:s11], [sflag:$0x6], $0x4000, $0x38;
	[tilespmem:$0x10480] =	vst v63  }
0x82: {  	_ =	swait.ge [sflag:s6], $0x4000  }
0x83: {  	[sflag:s6] =	ssyncset.done $0x0  }
0x84: {  	[sflag:s6] =	ssyncadd.s32 $0xFFFFC000  }
0x85: {  	[tilespmem:s11], [sflag:$0x2] =	stream.indirect.gather [spmem:s2], $0x80, s21, s13, $0xb8;
	[tilespmem:$0x10480] =	vst v63  }
0x86: {  	_ =	swait.ge [sflag:s14], $0x4000  }
0x87: {  	[sflag:s14] =	ssyncset.done $0x0  }
0x88: {  	s0 =	rddreg [dreg:$0x8];
	[sflag:s14] =	ssyncadd.s32 $0xFFFFC000  }
0x89: {  	[hbm4b:s0+s1] =	stream.linear.scatter [tilespmem:s9], [sflag:$0x7], $0x4000, $0x38;
	[tilespmem:$0x10480] =	vst v63  }
0x8a: {  	_ =	swait.ge [sflag:s7], $0x4000  }
0x8b: {  	[sflag:s7] =	ssyncset.done $0x0  }
0x8c: {  	[sflag:s7] =	ssyncadd.s32 $0xFFFFC000  }
0x8d: {  	[tilespmem:s9], [sflag:$0x3] =	stream.indirect.gather [spmem:s2], $0x80, s20, s13, $0xb8;
	[tilespmem:$0x10480] =	vst v63  }
0x8e: {  	_ =	swait.ge [sflag:s16], $0x4000  }
0x8f: {  	[sflag:s16] =	ssyncset.done $0x0  }
0x90: {  	s0 =	rddreg [dreg:$0x9];
	[sflag:s16] =	ssyncadd.s32 $0xFFFFC000  }
0x91: {  	[hbm4b:s0+s1] =	stream.linear.scatter [tilespmem:s8], [sflag:$0x8], $0x4000, $0x38;
	[tilespmem:$0x10480] =	vst v63  }
0x92: {  	_ =	swait.ge [sflag:s10], $0x4000  }
0x93: {  	[sflag:s10] =	ssyncset.done $0x0  }
0x94: {  	[sflag:s10] =	ssyncadd.s32 $0xFFFFC000  }
0x95: {  	[tilespmem:s8], [sflag:$0x4] =	stream.indirect.gather [spmem:s2], $0x80, s19, s13, $0xb8;
	[tilespmem:$0x10480] =	vst v63  }
0x96: {  	_ =	swait.ge [sflag:s17], $0x4000  }
0x97: {  	[sflag:s17] =	ssyncset.done $0x0  }
0x98: {  	s0 =	rddreg [dreg:$0xa];
	[sflag:s17] =	ssyncadd.s32 $0xFFFFC000  }
0x99: {  	[hbm4b:s0+s1] =	stream.linear.scatter [tilespmem:s12], [sflag:$0x5], $0x4000, $0x38;
	[tilespmem:$0x10480] =	vst v63  }
0x9a: {  	_ =	swait.ge [sflag:s15], $0x4000  }
0x9b: {  	[sflag:s15] =	ssyncset.done $0x0  }
0x9c: {  	s0 =	rddreg [dreg:$0xb];
	[sflag:s15] =	ssyncadd.s32 $0xFFFFC000  }
0x9d: {  	[hbm4b:s0+s1] =	stream.linear.scatter [tilespmem:s11], [sflag:$0x6], $0x4000, $0x38;
	[tilespmem:$0x10480] =	vst v63  }
0x9e: {  	_ =	swait.ge [sflag:s14], $0x4000  }
0x9f: {  	[sflag:s14] =	ssyncset.done $0x0  }
0xa0: {  	[sflag:s14] =	ssyncadd.s32 $0xFFFFC000  }
0xa1: {  	[hbm4b:s4+s1] =	stream.linear.scatter [tilespmem:s9], [sflag:$0x7], $0x4000, $0x38;
	[tilespmem:$0x10480] =	vst v63  }
0xa2: {  	_ =	swait.ge [sflag:s16], $0x4000  }
0xa3: {  	[sflag:s16] =	ssyncset.done $0x0  }
0xa4: {  	[sflag:s16] =	ssyncadd.s32 $0xFFFFC000  }
0xa5: {  	[hbm4b:s3+s1] =	stream.linear.scatter [tilespmem:s8], [sflag:$0x8], $0x4000, $0x38;
	[tilespmem:$0x10480] =	vst v63  }
0xa6: {  	_ =	swait.ge [sflag:s5], $0x4000  }
0xa7: {  	[sflag:s5] =	ssyncset.done $0x0  }
0xa8: {  	[sflag:s5] =	ssyncadd.s32 $0xFFFFC000  }
0xa9: {  	_ =	swait.ge [sflag:s6], $0x4000  }
0xaa: {  	s31 =	sadd.s32 $0xFFFFFFFF, s31;
	[sflag:s6] =	ssyncset.done $0x0  }
0xab: {  	p2 =	sne.s32 s31, $0x0;
	[sflag:s6] =	ssyncadd.s32 $0xFFFFC000  }
.Ltmp2:
0xac: {  	_ =	swait.ge [sflag:s7], $0x4000;
	(pc) =	sbr.rel @p2 .LBB2_3-.Ltmp2, $4  }
0xad: {  	[sflag:s7] =	ssyncset.done $0x0  }
0xae: {  	[sflag:s7] =	ssyncadd.s32 $0xFFFFC000  }
0xaf: {  	_ =	swait.ge [sflag:s10], $0x4000  }
0xb0: {  	s0 =	rddreg [dreg:$0x5];
	[sflag:s10] =	ssyncset.done $0x0  }
0xb1: {  	s30 =	rddreg [dreg:$0x4]  }
.LBB2_5:
0xb2: {  	[sflag:s10] =	ssyncadd.s32 @p1 $0xFFFFC000;
	s29 =	simm.s32 @!p0 $0x1C09  }
0xb3: {  	[spmem:s28], [sflag:s29] =	dma.local @!p0 [hbm:s0], $0x100  }
0xb4: {  	s0 =	simm.s32 @!p0 $0x9  }
0xb5: {  	_ =	swait.ge @!p0 [sflag:s0], $0x100  }
0xb6: {  	[sflag:s0] =	ssyncset.done @!p0 $0x0  }
0xb7: {  	s31 =	rddreg [dreg:$0x6];
	[sflag:s0] =	ssyncadd.s32 @!p0 $0xFFFFFF00  }
0xb8: {  	[tilespmem:s13], [sflag:$0x9] =	stream.linear.gather [hbm4b:s31+s1], $0x400, $0x38;
	[tilespmem:$0x10480] =	vst v63  }
0xb9: {  	_ =	swait.ge [sflag:s24], $0x400  }
0xba: {  	[sflag:s24] =	ssyncset.done $0x0  }
0xbb: {  	[sflag:s24] =	ssyncadd.s32 $0xFFFFFC00  }
0xbc: {  	[bflag:$0x0] =	sbarrier.arrive $0xFFFF  }
0xbd: {  	[tilespmem:s12], [sflag:$0x1] =	stream.indirect.gather [spmem:s2], $0x80, s13, s13, $0xb8;
	[tilespmem:$0x10480] =	vst v63  }
0xbe: {  	_ = 	snop  }
0xbf: {  	[tilespmem:s11], [sflag:$0x2] =	stream.indirect.gather [spmem:s2], $0x80, s23, s13, $0xb8;
	[tilespmem:$0x10480] =	vst v63  }
0xc0: {  	_ = 	snop  }
0xc1: {  	[tilespmem:s9], [sflag:$0x3] =	stream.indirect.gather [spmem:s2], $0x80, s25, s13, $0xb8;
	[tilespmem:$0x10480] =	vst v63  }
0xc2: {  	_ = 	snop  }
0xc3: {  	[tilespmem:s8], [sflag:$0x4] =	stream.indirect.gather [spmem:s2], $0x80, s26, s13, $0xb8;
	[tilespmem:$0x10480] =	vst v63  }
0xc4: {  	_ =	swait.ge [sflag:s17], $0x4000  }
0xc5: {  	[sflag:s17] =	ssyncset.done $0x0  }
0xc6: {  	[sflag:s17] =	ssyncadd.s32 $0xFFFFC000  }
0xc7: {  	[hbm4b:s18+s1] =	stream.linear.scatter [tilespmem:s12], [sflag:$0x5], $0x4000, $0x38;
	[tilespmem:$0x10480] =	vst v63  }
0xc8: {  	_ =	swait.ge [sflag:s5], $0x4000  }
0xc9: {  	[sflag:s5] =	ssyncset.done $0x0  }
0xca: {  	[sflag:s5] =	ssyncadd.s32 $0xFFFFC000  }
0xcb: {  	[tilespmem:s12], [sflag:$0x1] =	stream.indirect.gather [spmem:s2], $0x80, s22, s13, $0xb8;
	[tilespmem:$0x10480] =	vst v63  }
0xcc: {  	_ =	swait.ge [sflag:s15], $0x4000  }
0xcd: {  	[sflag:s15] =	ssyncset.done $0x0  }
0xce: {  	s25 =	rddreg [dreg:$0x7];
	[sflag:s15] =	ssyncadd.s32 $0xFFFFC000  }
0xcf: {  	[hbm4b:s25+s1] =	stream.linear.scatter [tilespmem:s11], [sflag:$0x6], $0x4000, $0x38;
	[tilespmem:$0x10480] =	vst v63  }
0xd0: {  	_ =	swait.ge [sflag:s6], $0x4000  }
0xd1: {  	[sflag:s6] =	ssyncset.done $0x0  }
0xd2: {  	[sflag:s6] =	ssyncadd.s32 $0xFFFFC000  }
0xd3: {  	[tilespmem:s11], [sflag:$0x2] =	stream.indirect.gather [spmem:s2], $0x80, s21, s13, $0xb8;
	[tilespmem:$0x10480] =	vst v63  }
0xd4: {  	_ =	swait.ge [sflag:s14], $0x4000  }
0xd5: {  	[sflag:s14] =	ssyncset.done $0x0  }
0xd6: {  	s26 =	rddreg [dreg:$0x8];
	[sflag:s14] =	ssyncadd.s32 $0xFFFFC000  }
0xd7: {  	[hbm4b:s26+s1] =	stream.linear.scatter [tilespmem:s9], [sflag:$0x7], $0x4000, $0x38;
	[tilespmem:$0x10480] =	vst v63  }
0xd8: {  	_ =	swait.ge [sflag:s7], $0x4000  }
0xd9: {  	[sflag:s7] =	ssyncset.done $0x0  }
0xda: {  	[sflag:s7] =	ssyncadd.s32 $0xFFFFC000  }
0xdb: {  	[tilespmem:s9], [sflag:$0x3] =	stream.indirect.gather [spmem:s2], $0x80, s20, s13, $0xb8;
	[tilespmem:$0x10480] =	vst v63  }
0xdc: {  	_ =	swait.ge [sflag:s16], $0x4000  }
0xdd: {  	[sflag:s16] =	ssyncset.done $0x0  }
0xde: {  	s28 =	rddreg [dreg:$0x9];
	[sflag:s16] =	ssyncadd.s32 $0xFFFFC000  }
0xdf: {  	[hbm4b:s28+s1] =	stream.linear.scatter [tilespmem:s8], [sflag:$0x8], $0x4000, $0x38;
	[tilespmem:$0x10480] =	vst v63  }
0xe0: {  	_ =	swait.ge [sflag:s10], $0x4000  }
0xe1: {  	[sflag:s10] =	ssyncset.done $0x0  }
0xe2: {  	[sflag:s10] =	ssyncadd.s32 $0xFFFFC000  }
0xe3: {  	[tilespmem:s8], [sflag:$0x4] =	stream.indirect.gather [spmem:s2], $0x80, s19, s13, $0xb8;
	[tilespmem:$0x10480] =	vst v63  }
0xe4: {  	_ =	swait.ge [sflag:s17], $0x4000  }
0xe5: {  	[sflag:s17] =	ssyncset.done $0x0  }
0xe6: {  	s29 =	rddreg [dreg:$0xa];
	[sflag:s17] =	ssyncadd.s32 $0xFFFFC000  }
0xe7: {  	[hbm4b:s29+s1] =	stream.linear.scatter [tilespmem:s12], [sflag:$0x5], $0x4000, $0x38;
	[tilespmem:$0x10480] =	vst v63  }
0xe8: {  	_ =	swait.ge [sflag:s15], $0x4000  }
0xe9: {  	[sflag:s15] =	ssyncset.done $0x0  }
0xea: {  	s31 =	rddreg [dreg:$0xb];
	[sflag:s15] =	ssyncadd.s32 $0xFFFFC000  }
0xeb: {  	[hbm4b:s31+s1] =	stream.linear.scatter [tilespmem:s11], [sflag:$0x6], $0x4000, $0x38;
	[tilespmem:$0x10480] =	vst v63  }
0xec: {  	_ =	swait.ge [sflag:s14], $0x4000  }
0xed: {  	[sflag:s14] =	ssyncset.done $0x0  }
0xee: {  	[sflag:s14] =	ssyncadd.s32 $0xFFFFC000  }
0xef: {  	[hbm4b:s4+s1] =	stream.linear.scatter [tilespmem:s9], [sflag:$0x7], $0x4000, $0x38;
	[tilespmem:$0x10480] =	vst v63  }
0xf0: {  	_ =	swait.ge [sflag:s16], $0x4000  }
0xf1: {  	[sflag:s16] =	ssyncset.done $0x0  }
0xf2: {  	[sflag:s16] =	ssyncadd.s32 $0xFFFFC000  }
0xf3: {  	[hbm4b:s3+s1] =	stream.linear.scatter [tilespmem:s8], [sflag:$0x8], $0x4000, $0x38;
	[tilespmem:$0x10480] =	vst v63  }
0xf4: {  	_ =	swait.ge [sflag:s5], $0x4000  }
0xf5: {  	[sflag:s5] =	ssyncset.done $0x0  }
0xf6: {  	[sflag:s5] =	ssyncadd.s32 $0xFFFFC000  }
0xf7: {  	_ =	swait.ge [sflag:s6], $0x4000  }
0xf8: {  	[sflag:s6] =	ssyncset.done $0x0  }
0xf9: {  	[sflag:s6] =	ssyncadd.s32 $0xFFFFC000  }
0xfa: {  	_ =	swait.ge [sflag:s7], $0x4000  }
0xfb: {  	[sflag:s7] =	ssyncset.done $0x0  }
0xfc: {  	[sflag:s7] =	ssyncadd.s32 $0xFFFFC000  }
0xfd: {  	_ =	swait.ge [sflag:s10], $0x4000  }
0xfe: {  	[sflag:s10] =	ssyncset.done $0x0  }
0xff: {  	[sflag:s10] =	ssyncadd.s32 $0xFFFFC000  }
0x100: {  	_ =	sfence.sel $0x180000  }
0x101: {  	[bflag:$0x0] =	sbarrier.arrive $0xFFFF  }
0x102: {  	_ =	strace $0x90000047  }
0x103: {  	s0 =	sadd.s32 @!p0 $0x100000, s30;
	[bflag:$0x2] =	sbarrier.arrive $0xFFFF  }
0x104: {  	[sflag:s0] =	ssyncadd.tile.s32 @!p0 $0x1;
	_ =	shalt  }
.LBB2_2:
.Ltmp3:
0x105: {  	(pc) =	sbr.rel .LBB2_5-.Ltmp3, $2  }
0x106: {  	_ =	sdelay $0x2  }
0x107: {  	s30 =	rddreg [dreg:$0x4]  }
.Lfunc_end2:
_tile_overlayer_lowered:
.L_overlay_start_2:
0x108: {  	(tag) =	ssettag $0x2  }
0x109: {  	s0 =	rddreg [dreg:$0x0];
	s2 =	stileid.u32  }
0x10a: {  	s1 =	rddreg [dreg:$0x1];
	p0 =	sne.s32 s2, $0x0  }
0x10b: {  	s3 =	rddreg [dreg:$0x2];
	[bflag:$0x3] =	sbarrier.arrive $0xFFFF;
	s2 =	simm.s32 @!p0 $0x1C09  }
0x10c: {  	[timem:s3], [sflag:s2] =	dma.local @!p0 [hbm:s0], s1  }
0x10d: {  	s0 =	simm.s32 @!p0 $0x9  }
0x10e: {  	_ =	swait.ge @!p0 [sflag:s0], s1  }
0x10f: {  	s1 =	ssub.s32 @!p0 $0x0, s1;
	[sflag:s0] =	ssyncset.done @!p0 $0x0  }
0x110: {  	[sflag:s0] =	ssyncadd.s32 @!p0 s1  }
0x111: {  	[bflag:$0x3] =	sbarrier.arrive $0xFFFF  }
0x112: {  	_ =	shalt  }

</sc_bundles>
